<compile_context>
chip_gen: v7x
topology: tpu7x:2x2x1
jax: 0.10.2.dev20260603
libtpu: 0.0.44.dev20260713+nightly
codegen_flags: <defaults>
</compile_context>

<pallas_src>
import functools

import jax
import jax.numpy as jnp
from jax import lax
from jax.experimental import pallas as pl
from jax.experimental.pallas import tpu as pltpu
from jax.experimental.pallas import tpu_sc as plsc

ROWS = 16384
COLS = 128
NCORES = 2
NSUBCORES = 16
NW = NCORES * NSUBCORES
RPW = ROWS // NW
LANES = 16
WORDS = RPW * 4
GROUPS = WORDS // LANES
DMA_CHUNK = 128
NCHUNKS = WORDS // DMA_CHUNK

_mesh = plsc.VectorSubcoreMesh(core_axis_name="c", subcore_axis_name="s")


@functools.partial(
    pl.kernel,
    out_type=jax.ShapeDtypeStruct((ROWS * 4,), jnp.float32),
    mesh=_mesh,
    scratch_types=[
        pltpu.VMEM((WORDS,), jnp.int32),
        pltpu.VMEM((WORDS,), jnp.float32),
        pltpu.VMEM((WORDS,), jnp.float32),
        pltpu.SemaphoreType.DMA,
    ],
)
def _deepjets_sc(x_hbm, out_hbm, idx_v, gat_v, out_v, sem):
    wid = lax.axis_index("s") * NCORES + lax.axis_index("c")
    base_row = wid * RPW
    lane = lax.iota(jnp.int32, LANES)
    rowoff = lane >> 2
    colo = lane & 3
    lane_base = lane & ~3

    def fill_body(j, carry):
        idx_v[pl.ds(j * LANES, LANES)] = (
            (base_row + j * 4 + rowoff) * COLS + 4 + colo
        )
        return carry

    lax.fori_loop(0, GROUPS, fill_body, 0)

    copies = [
        pltpu.async_copy(
            x_hbm.at[idx_v.at[pl.ds(k * DMA_CHUNK, DMA_CHUNK)]],
            gat_v.at[pl.ds(k * DMA_CHUNK, DMA_CHUNK)],
            sem,
        )
        for k in range(NCHUNKS)
    ]
    for cp in copies:
        cp.wait()

    is0 = colo == 0
    is1 = colo == 1
    is2 = colo == 2

    def comp_body(j, carry):
        v = gat_v[pl.ds(j * LANES, LANES)]
        b = v.at[lane_base].get(mode="promise_in_bounds")
        cvb = v.at[lane_base + 1].get(mode="promise_in_bounds")
        cvl = v.at[lane_base + 2].get(mode="promise_in_bounds")
        qg = v.at[lane_base + 3].get(mode="promise_in_bounds")
        c = b / (1.0 / cvb - 1.0)
        d = c / cvl - c
        out = jnp.where(is0, b, jnp.where(is1, c, jnp.where(is2, (1.0 - qg) * d, qg * d)))
        out_v[pl.ds(j * LANES, LANES)] = out
        return carry

    lax.fori_loop(0, GROUPS, comp_body, 0)

    pltpu.sync_copy(out_v, out_hbm.at[pl.ds(wid * WORDS, WORDS)])


def kernel(x):
    x_flat = x.reshape(ROWS * COLS)
    return _deepjets_sc(x_flat).reshape(ROWS, 4)

# --- scband reference (transcript-rebuilt; emitter-appended) ---
"""Pipeline reference for scband-select-deep-jets-34351148434110 (READ-ONLY COPY).

The authoritative reference and input builder live on the scoring server;
editing this copy changes nothing except your own understanding.
"""

import jax, jax.numpy as jnp
import numpy as np

DEEPJET_INDICES = jnp.array([4, 5, 6, 7], dtype=jnp.int32)


def setup_inputs(seed: int = 0) -> dict:
    key = jax.random.key(seed)
    # fill=rand -> uniform [0,1); values are probabilities/discriminants so (0,1) is the
    # physically meaningful range (CvB, CvL, QG are probability ratios in (0,1)).
    x = jax.random.uniform(key, (16384, 128), dtype=jnp.float32)
    return {"x": x}


def reference(x):
    # torch.index_select(x, 1, deepjetindices)
    thedeepjets = jnp.take(x, DEEPJET_INDICES, axis=1)
    # sigmoidtransform=False -> skip
    # nanotransform=True:
    B = thedeepjets[:, 0:1]
    CvB = thedeepjets[:, 1:2]
    CvL = thedeepjets[:, 2:3]
    QG = thedeepjets[:, 3:4]
    C = B / (1.0 / CvB - 1.0)
    out = jnp.concatenate(
        (B, C, (1.0 - QG) * (C / CvL - C), QG * (C / CvL - C)), axis=1
    )
    return out

if __name__ == "__main__":
    import jax
    _d = setup_inputs()
    print(jax.jit(kernel)(*tuple(_d.values())))

</pallas_src>

<mosaic_0001>
#map = affine_map<(d0, d1) -> (0)>
module attributes {stable_mosaic.version = 14 : i64} {
  func.func @_deepjets_sc(%arg0: i32, %arg1: i32, %arg2: memref<2097152xf32, #tpu.memory_space<hbm>>, %arg3: memref<65536xf32, #tpu.memory_space<hbm>>, %arg4: memref<2048xi32, #tpu.memory_space<vmem>>, %arg5: memref<2048xf32, #tpu.memory_space<vmem>>, %arg6: memref<2048xf32, #tpu.memory_space<vmem>>, %arg7: memref<!tpu.dma_semaphore, #tpu.memory_space<semaphore_mem>>) attributes {dimension_semantics = [#tpu.dimension_semantics<core_parallel>, #tpu.dimension_semantics<subcore_parallel>], iteration_bounds = array<i64: 2, 16>, scalar_prefetch = 0 : i64, scratch_operands = 4 : i64, tpu.core_type = #tpu.core_type<sc_vector_subcore>, window_params = [{transform_indices = #map}, {transform_indices = #map}]} {
    %mul3A = arith.constant 2 : i32
    %mul3A_0 = arith.muli %arg1, %mul3A : i32
    %add3A = arith.addi %mul3A_0, %arg0 : i32
    %mul3A_1 = arith.constant 512 : i32
    %mul3A_2 = arith.muli %add3A, %mul3A_1 : i32
    %iota3A = tpu.iota {dimensions = array<i32: 0>} : vector<16xi32>
    %shift_right_arithmetic3A = arith.constant 2 : i32
    %shift_right_arithmetic3A_3 = vector.broadcast %shift_right_arithmetic3A : i32 to vector<16xi32>
    %shift_right_arithmetic3A_4 = arith.shrsi %iota3A, %shift_right_arithmetic3A_3 : vector<16xi32>
    %and3A = arith.constant 3 : i32
    %and3A_5 = vector.broadcast %and3A : i32 to vector<16xi32>
    %and3A_6 = arith.andi %iota3A, %and3A_5 : vector<16xi32>
    %and3A_7 = arith.constant -4 : i32
    %and3A_8 = vector.broadcast %and3A_7 : i32 to vector<16xi32>
    %and3A_9 = arith.andi %iota3A, %and3A_8 : vector<16xi32>
    %scan3A = arith.constant 0 : i32
    %scan3A_10 = arith.constant 0 : i32
    %scan3A_11 = arith.constant 128 : i32
    %scan3A_12 = arith.addi %scan3A_10, %scan3A_11 : i32
    %scan3A_13 = arith.constant 1 : i32
    scf.for %scan3A_221 = %scan3A_10 to %scan3A_12 step %scan3A_13  : i32 {
      %mul3A_222 = arith.constant 4 : i32
      %mul3A_223 = arith.muli %scan3A_221, %mul3A_222 : i32
      %add3A_224 = arith.addi %mul3A_2, %mul3A_223 : i32
      %add3A_225 = vector.broadcast %add3A_224 : i32 to vector<16xi32>
      %add3A_226 = arith.addi %add3A_225, %shift_right_arithmetic3A_4 : vector<16xi32>
      %mul3A_227 = arith.constant 128 : i32
      %mul3A_228 = vector.broadcast %mul3A_227 : i32 to vector<16xi32>
      %mul3A_229 = arith.muli %add3A_226, %mul3A_228 : vector<16xi32>
      %add3A_230 = arith.constant 4 : i32
      %add3A_231 = vector.broadcast %add3A_230 : i32 to vector<16xi32>
      %add3A_232 = arith.addi %mul3A_229, %add3A_231 : vector<16xi32>
      %add3A_233 = arith.addi %add3A_232, %and3A_6 : vector<16xi32>
      %mul3A_234 = arith.constant 16 : i32
      %mul3A_235 = arith.muli %scan3A_221, %mul3A_234 : i32
      %swap3A = arith.index_cast %mul3A_235 : i32 to index
      %swap3A_236 = tpu.vector_load %arg4[%swap3A] {strides = array<i32>} : memref<2048xi32, #tpu.memory_space<vmem>>, vector<16xi32>,
      %swap3A_237 = vector.shape_cast %swap3A_236 : vector<16xi32> to vector<16xi32>
      %swap3A_238 = vector.shape_cast %add3A_233 : vector<16xi32> to vector<16xi32>
      tpu.vector_store %arg4[%swap3A], %swap3A_238 {strides = array<i32>} : memref<2048xi32, #tpu.memory_space<vmem>>, vector<16xi32>,
    }
    %scan3A_14 = arith.constant 128 : i32
    %dma_start3A = arith.constant 0 : i32
    %dma_start3A_15 = tpu.memref_slice %arg5[%dma_start3A] : memref<2048xf32, #tpu.memory_space<vmem>> -> memref<128xf32, #tpu.memory_space<vmem>>
    %dma_start3A_16 = arith.constant 0 : i32
    %dma_start3A_17 = tpu.memref_slice %arg4[%dma_start3A_16] : memref<2048xi32, #tpu.memory_space<vmem>> -> memref<128xi32, #tpu.memory_space<vmem>>
    %dma_start3A_18 = arith.constant 0 : i32
    %dma_start3A_19 = tpu.memref_slice %arg2[%dma_start3A_18] : memref<2097152xf32, #tpu.memory_space<hbm>> -> memref<2097152xf32, #tpu.memory_space<hbm>>
    tpu.enqueue_indirect_dma source(%dma_start3A_19 : memref<2097152xf32, #tpu.memory_space<hbm>>) target(%dma_start3A_15 : memref<128xf32, #tpu.memory_space<vmem>>) offsets(%dma_start3A_17 : memref<128xi32, #tpu.memory_space<vmem>>) semaphore(%arg7 : memref<!tpu.dma_semaphore, #tpu.memory_space<semaphore_mem>>)
    %dma_start3A_20 = arith.constant 128 : i32
    %dma_start3A_21 = tpu.memref_slice %arg5[%dma_start3A_20] : memref<2048xf32, #tpu.memory_space<vmem>> -> memref<128xf32, #tpu.memory_space<vmem>>
    %dma_start3A_22 = arith.constant 128 : i32
    %dma_start3A_23 = tpu.memref_slice %arg4[%dma_start3A_22] : memref<2048xi32, #tpu.memory_space<vmem>> -> memref<128xi32, #tpu.memory_space<vmem>>
    %dma_start3A_24 = arith.constant 0 : i32
    %dma_start3A_25 = tpu.memref_slice %arg2[%dma_start3A_24] : memref<2097152xf32, #tpu.memory_space<hbm>> -> memref<2097152xf32, #tpu.memory_space<hbm>>
    tpu.enqueue_indirect_dma source(%dma_start3A_25 : memref<2097152xf32, #tpu.memory_space<hbm>>) target(%dma_start3A_21 : memref<128xf32, #tpu.memory_space<vmem>>) offsets(%dma_start3A_23 : memref<128xi32, #tpu.memory_space<vmem>>) semaphore(%arg7 : memref<!tpu.dma_semaphore, #tpu.memory_space<semaphore_mem>>)
    %dma_start3A_26 = arith.constant 256 : i32
    %dma_start3A_27 = tpu.memref_slice %arg5[%dma_start3A_26] : memref<2048xf32, #tpu.memory_space<vmem>> -> memref<128xf32, #tpu.memory_space<vmem>>
    %dma_start3A_28 = arith.constant 256 : i32
    %dma_start3A_29 = tpu.memref_slice %arg4[%dma_start3A_28] : memref<2048xi32, #tpu.memory_space<vmem>> -> memref<128xi32, #tpu.memory_space<vmem>>
    %dma_start3A_30 = arith.constant 0 : i32
    %dma_start3A_31 = tpu.memref_slice %arg2[%dma_start3A_30] : memref<2097152xf32, #tpu.memory_space<hbm>> -> memref<2097152xf32, #tpu.memory_space<hbm>>
    tpu.enqueue_indirect_dma source(%dma_start3A_31 : memref<2097152xf32, #tpu.memory_space<hbm>>) target(%dma_start3A_27 : memref<128xf32, #tpu.memory_space<vmem>>) offsets(%dma_start3A_29 : memref<128xi32, #tpu.memory_space<vmem>>) semaphore(%arg7 : memref<!tpu.dma_semaphore, #tpu.memory_space<semaphore_mem>>)
    %dma_start3A_32 = arith.constant 384 : i32
    %dma_start3A_33 = tpu.memref_slice %arg5[%dma_start3A_32] : memref<2048xf32, #tpu.memory_space<vmem>> -> memref<128xf32, #tpu.memory_space<vmem>>
    %dma_start3A_34 = arith.constant 384 : i32
    %dma_start3A_35 = tpu.memref_slice %arg4[%dma_start3A_34] : memref<2048xi32, #tpu.memory_space<vmem>> -> memref<128xi32, #tpu.memory_space<vmem>>
    %dma_start3A_36 = arith.constant 0 : i32
    %dma_start3A_37 = tpu.memref_slice %arg2[%dma_start3A_36] : memref<2097152xf32, #tpu.memory_space<hbm>> -> memref<2097152xf32, #tpu.memory_space<hbm>>
    tpu.enqueue_indirect_dma source(%dma_start3A_37 : memref<2097152xf32, #tpu.memory_space<hbm>>) target(%dma_start3A_33 : memref<128xf32, #tpu.memory_space<vmem>>) offsets(%dma_start3A_35 : memref<128xi32, #tpu.memory_space<vmem>>) semaphore(%arg7 : memref<!tpu.dma_semaphore, #tpu.memory_space<semaphore_mem>>)
    %dma_start3A_38 = arith.constant 512 : i32
    %dma_start3A_39 = tpu.memref_slice %arg5[%dma_start3A_38] : memref<2048xf32, #tpu.memory_space<vmem>> -> memref<128xf32, #tpu.memory_space<vmem>>
    %dma_start3A_40 = arith.constant 512 : i32
    %dma_start3A_41 = tpu.memref_slice %arg4[%dma_start3A_40] : memref<2048xi32, #tpu.memory_space<vmem>> -> memref<128xi32, #tpu.memory_space<vmem>>
    %dma_start3A_42 = arith.constant 0 : i32
    %dma_start3A_43 = tpu.memref_slice %arg2[%dma_start3A_42] : memref<2097152xf32, #tpu.memory_space<hbm>> -> memref<2097152xf32, #tpu.memory_space<hbm>>
    tpu.enqueue_indirect_dma source(%dma_start3A_43 : memref<2097152xf32, #tpu.memory_space<hbm>>) target(%dma_start3A_39 : memref<128xf32, #tpu.memory_space<vmem>>) offsets(%dma_start3A_41 : memref<128xi32, #tpu.memory_space<vmem>>) semaphore(%arg7 : memref<!tpu.dma_semaphore, #tpu.memory_space<semaphore_mem>>)
    %dma_start3A_44 = arith.constant 640 : i32
    %dma_start3A_45 = tpu.memref_slice %arg5[%dma_start3A_44] : memref<2048xf32, #tpu.memory_space<vmem>> -> memref<128xf32, #tpu.memory_space<vmem>>
    %dma_start3A_46 = arith.constant 640 : i32
    %dma_start3A_47 = tpu.memref_slice %arg4[%dma_start3A_46] : memref<2048xi32, #tpu.memory_space<vmem>> -> memref<128xi32, #tpu.memory_space<vmem>>
    %dma_start3A_48 = arith.constant 0 : i32
    %dma_start3A_49 = tpu.memref_slice %arg2[%dma_start3A_48] : memref<2097152xf32, #tpu.memory_space<hbm>> -> memref<2097152xf32, #tpu.memory_space<hbm>>
    tpu.enqueue_indirect_dma source(%dma_start3A_49 : memref<2097152xf32, #tpu.memory_space<hbm>>) target(%dma_start3A_45 : memref<128xf32, #tpu.memory_space<vmem>>) offsets(%dma_start3A_47 : memref<128xi32, #tpu.memory_space<vmem>>) semaphore(%arg7 : memref<!tpu.dma_semaphore, #tpu.memory_space<semaphore_mem>>)
    %dma_start3A_50 = arith.constant 768 : i32
    %dma_start3A_51 = tpu.memref_slice %arg5[%dma_start3A_50] : memref<2048xf32, #tpu.memory_space<vmem>> -> memref<128xf32, #tpu.memory_space<vmem>>
    %dma_start3A_52 = arith.constant 768 : i32
    %dma_start3A_53 = tpu.memref_slice %arg4[%dma_start3A_52] : memref<2048xi32, #tpu.memory_space<vmem>> -> memref<128xi32, #tpu.memory_space<vmem>>
    %dma_start3A_54 = arith.constant 0 : i32
    %dma_start3A_55 = tpu.memref_slice %arg2[%dma_start3A_54] : memref<2097152xf32, #tpu.memory_space<hbm>> -> memref<2097152xf32, #tpu.memory_space<hbm>>
    tpu.enqueue_indirect_dma source(%dma_start3A_55 : memref<2097152xf32, #tpu.memory_space<hbm>>) target(%dma_start3A_51 : memref<128xf32, #tpu.memory_space<vmem>>) offsets(%dma_start3A_53 : memref<128xi32, #tpu.memory_space<vmem>>) semaphore(%arg7 : memref<!tpu.dma_semaphore, #tpu.memory_space<semaphore_mem>>)
    %dma_start3A_56 = arith.constant 896 : i32
    %dma_start3A_57 = tpu.memref_slice %arg5[%dma_start3A_56] : memref<2048xf32, #tpu.memory_space<vmem>> -> memref<128xf32, #tpu.memory_space<vmem>>
    %dma_start3A_58 = arith.constant 896 : i32
    %dma_start3A_59 = tpu.memref_slice %arg4[%dma_start3A_58] : memref<2048xi32, #tpu.memory_space<vmem>> -> memref<128xi32, #tpu.memory_space<vmem>>
    %dma_start3A_60 = arith.constant 0 : i32
    %dma_start3A_61 = tpu.memref_slice %arg2[%dma_start3A_60] : memref<2097152xf32, #tpu.memory_space<hbm>> -> memref<2097152xf32, #tpu.memory_space<hbm>>
    tpu.enqueue_indirect_dma source(%dma_start3A_61 : memref<2097152xf32, #tpu.memory_space<hbm>>) target(%dma_start3A_57 : memref<128xf32, #tpu.memory_space<vmem>>) offsets(%dma_start3A_59 : memref<128xi32, #tpu.memory_space<vmem>>) semaphore(%arg7 : memref<!tpu.dma_semaphore, #tpu.memory_space<semaphore_mem>>)
    %dma_start3A_62 = arith.constant 1024 : i32
    %dma_start3A_63 = tpu.memref_slice %arg5[%dma_start3A_62] : memref<2048xf32, #tpu.memory_space<vmem>> -> memref<128xf32, #tpu.memory_space<vmem>>
    %dma_start3A_64 = arith.constant 1024 : i32
    %dma_start3A_65 = tpu.memref_slice %arg4[%dma_start3A_64] : memref<2048xi32, #tpu.memory_space<vmem>> -> memref<128xi32, #tpu.memory_space<vmem>>
    %dma_start3A_66 = arith.constant 0 : i32
    %dma_start3A_67 = tpu.memref_slice %arg2[%dma_start3A_66] : memref<2097152xf32, #tpu.memory_space<hbm>> -> memref<2097152xf32, #tpu.memory_space<hbm>>
    tpu.enqueue_indirect_dma source(%dma_start3A_67 : memref<2097152xf32, #tpu.memory_space<hbm>>) target(%dma_start3A_63 : memref<128xf32, #tpu.memory_space<vmem>>) offsets(%dma_start3A_65 : memref<128xi32, #tpu.memory_space<vmem>>) semaphore(%arg7 : memref<!tpu.dma_semaphore, #tpu.memory_space<semaphore_mem>>)
    %dma_start3A_68 = arith.constant 1152 : i32
    %dma_start3A_69 = tpu.memref_slice %arg5[%dma_start3A_68] : memref<2048xf32, #tpu.memory_space<vmem>> -> memref<128xf32, #tpu.memory_space<vmem>>
    %dma_start3A_70 = arith.constant 1152 : i32
    %dma_start3A_71 = tpu.memref_slice %arg4[%dma_start3A_70] : memref<2048xi32, #tpu.memory_space<vmem>> -> memref<128xi32, #tpu.memory_space<vmem>>
    %dma_start3A_72 = arith.constant 0 : i32
    %dma_start3A_73 = tpu.memref_slice %arg2[%dma_start3A_72] : memref<2097152xf32, #tpu.memory_space<hbm>> -> memref<2097152xf32, #tpu.memory_space<hbm>>
    tpu.enqueue_indirect_dma source(%dma_start3A_73 : memref<2097152xf32, #tpu.memory_space<hbm>>) target(%dma_start3A_69 : memref<128xf32, #tpu.memory_space<vmem>>) offsets(%dma_start3A_71 : memref<128xi32, #tpu.memory_space<vmem>>) semaphore(%arg7 : memref<!tpu.dma_semaphore, #tpu.memory_space<semaphore_mem>>)
    %dma_start3A_74 = arith.constant 1280 : i32
    %dma_start3A_75 = tpu.memref_slice %arg5[%dma_start3A_74] : memref<2048xf32, #tpu.memory_space<vmem>> -> memref<128xf32, #tpu.memory_space<vmem>>
    %dma_start3A_76 = arith.constant 1280 : i32
    %dma_start3A_77 = tpu.memref_slice %arg4[%dma_start3A_76] : memref<2048xi32, #tpu.memory_space<vmem>> -> memref<128xi32, #tpu.memory_space<vmem>>
    %dma_start3A_78 = arith.constant 0 : i32
    %dma_start3A_79 = tpu.memref_slice %arg2[%dma_start3A_78] : memref<2097152xf32, #tpu.memory_space<hbm>> -> memref<2097152xf32, #tpu.memory_space<hbm>>
    tpu.enqueue_indirect_dma source(%dma_start3A_79 : memref<2097152xf32, #tpu.memory_space<hbm>>) target(%dma_start3A_75 : memref<128xf32, #tpu.memory_space<vmem>>) offsets(%dma_start3A_77 : memref<128xi32, #tpu.memory_space<vmem>>) semaphore(%arg7 : memref<!tpu.dma_semaphore, #tpu.memory_space<semaphore_mem>>)
    %dma_start3A_80 = arith.constant 1408 : i32
    %dma_start3A_81 = tpu.memref_slice %arg5[%dma_start3A_80] : memref<2048xf32, #tpu.memory_space<vmem>> -> memref<128xf32, #tpu.memory_space<vmem>>
    %dma_start3A_82 = arith.constant 1408 : i32
    %dma_start3A_83 = tpu.memref_slice %arg4[%dma_start3A_82] : memref<2048xi32, #tpu.memory_space<vmem>> -> memref<128xi32, #tpu.memory_space<vmem>>
    %dma_start3A_84 = arith.constant 0 : i32
    %dma_start3A_85 = tpu.memref_slice %arg2[%dma_start3A_84] : memref<2097152xf32, #tpu.memory_space<hbm>> -> memref<2097152xf32, #tpu.memory_space<hbm>>
    tpu.enqueue_indirect_dma source(%dma_start3A_85 : memref<2097152xf32, #tpu.memory_space<hbm>>) target(%dma_start3A_81 : memref<128xf32, #tpu.memory_space<vmem>>) offsets(%dma_start3A_83 : memref<128xi32, #tpu.memory_space<vmem>>) semaphore(%arg7 : memref<!tpu.dma_semaphore, #tpu.memory_space<semaphore_mem>>)
    %dma_start3A_86 = arith.constant 1536 : i32
    %dma_start3A_87 = tpu.memref_slice %arg5[%dma_start3A_86] : memref<2048xf32, #tpu.memory_space<vmem>> -> memref<128xf32, #tpu.memory_space<vmem>>
    %dma_start3A_88 = arith.constant 1536 : i32
    %dma_start3A_89 = tpu.memref_slice %arg4[%dma_start3A_88] : memref<2048xi32, #tpu.memory_space<vmem>> -> memref<128xi32, #tpu.memory_space<vmem>>
    %dma_start3A_90 = arith.constant 0 : i32
    %dma_start3A_91 = tpu.memref_slice %arg2[%dma_start3A_90] : memref<2097152xf32, #tpu.memory_space<hbm>> -> memref<2097152xf32, #tpu.memory_space<hbm>>
    tpu.enqueue_indirect_dma source(%dma_start3A_91 : memref<2097152xf32, #tpu.memory_space<hbm>>) target(%dma_start3A_87 : memref<128xf32, #tpu.memory_space<vmem>>) offsets(%dma_start3A_89 : memref<128xi32, #tpu.memory_space<vmem>>) semaphore(%arg7 : memref<!tpu.dma_semaphore, #tpu.memory_space<semaphore_mem>>)
    %dma_start3A_92 = arith.constant 1664 : i32
    %dma_start3A_93 = tpu.memref_slice %arg5[%dma_start3A_92] : memref<2048xf32, #tpu.memory_space<vmem>> -> memref<128xf32, #tpu.memory_space<vmem>>
    %dma_start3A_94 = arith.constant 1664 : i32
    %dma_start3A_95 = tpu.memref_slice %arg4[%dma_start3A_94] : memref<2048xi32, #tpu.memory_space<vmem>> -> memref<128xi32, #tpu.memory_space<vmem>>
    %dma_start3A_96 = arith.constant 0 : i32
    %dma_start3A_97 = tpu.memref_slice %arg2[%dma_start3A_96] : memref<2097152xf32, #tpu.memory_space<hbm>> -> memref<2097152xf32, #tpu.memory_space<hbm>>
    tpu.enqueue_indirect_dma source(%dma_start3A_97 : memref<2097152xf32, #tpu.memory_space<hbm>>) target(%dma_start3A_93 : memref<128xf32, #tpu.memory_space<vmem>>) offsets(%dma_start3A_95 : memref<128xi32, #tpu.memory_space<vmem>>) semaphore(%arg7 : memref<!tpu.dma_semaphore, #tpu.memory_space<semaphore_mem>>)
    %dma_start3A_98 = arith.constant 1792 : i32
    %dma_start3A_99 = tpu.memref_slice %arg5[%dma_start3A_98] : memref<2048xf32, #tpu.memory_space<vmem>> -> memref<128xf32, #tpu.memory_space<vmem>>
    %dma_start3A_100 = arith.constant 1792 : i32
    %dma_start3A_101 = tpu.memref_slice %arg4[%dma_start3A_100] : memref<2048xi32, #tpu.memory_space<vmem>> -> memref<128xi32, #tpu.memory_space<vmem>>
    %dma_start3A_102 = arith.constant 0 : i32
    %dma_start3A_103 = tpu.memref_slice %arg2[%dma_start3A_102] : memref<2097152xf32, #tpu.memory_space<hbm>> -> memref<2097152xf32, #tpu.memory_space<hbm>>
    tpu.enqueue_indirect_dma source(%dma_start3A_103 : memref<2097152xf32, #tpu.memory_space<hbm>>) target(%dma_start3A_99 : memref<128xf32, #tpu.memory_space<vmem>>) offsets(%dma_start3A_101 : memref<128xi32, #tpu.memory_space<vmem>>) semaphore(%arg7 : memref<!tpu.dma_semaphore, #tpu.memory_space<semaphore_mem>>)
    %dma_start3A_104 = arith.constant 1920 : i32
    %dma_start3A_105 = tpu.memref_slice %arg5[%dma_start3A_104] : memref<2048xf32, #tpu.memory_space<vmem>> -> memref<128xf32, #tpu.memory_space<vmem>>
    %dma_start3A_106 = arith.constant 1920 : i32
    %dma_start3A_107 = tpu.memref_slice %arg4[%dma_start3A_106] : memref<2048xi32, #tpu.memory_space<vmem>> -> memref<128xi32, #tpu.memory_space<vmem>>
    %dma_start3A_108 = arith.constant 0 : i32
    %dma_start3A_109 = tpu.memref_slice %arg2[%dma_start3A_108] : memref<2097152xf32, #tpu.memory_space<hbm>> -> memref<2097152xf32, #tpu.memory_space<hbm>>
    tpu.enqueue_indirect_dma source(%dma_start3A_109 : memref<2097152xf32, #tpu.memory_space<hbm>>) target(%dma_start3A_105 : memref<128xf32, #tpu.memory_space<vmem>>) offsets(%dma_start3A_107 : memref<128xi32, #tpu.memory_space<vmem>>) semaphore(%arg7 : memref<!tpu.dma_semaphore, #tpu.memory_space<semaphore_mem>>)
    %dma_wait3A = arith.constant 0 : i32
    %dma_wait3A_110 = tpu.memref_slice %arg5[%dma_wait3A] : memref<2048xf32, #tpu.memory_space<vmem>> -> memref<128xf32, #tpu.memory_space<vmem>>
    %dma_wait3A_111 = arith.constant 0 : i32
    %dma_wait3A_112 = tpu.memref_slice %arg4[%dma_wait3A_111] : memref<2048xi32, #tpu.memory_space<vmem>> -> memref<128xi32, #tpu.memory_space<vmem>>
    %dma_wait3A_113 = arith.constant 0 : i32
    %dma_wait3A_114 = tpu.memref_slice %arg2[%dma_wait3A_113] : memref<2097152xf32, #tpu.memory_space<hbm>> -> memref<2097152xf32, #tpu.memory_space<hbm>>
    tpu.wait_indirect_dma semaphore(%arg7 : memref<!tpu.dma_semaphore, #tpu.memory_space<semaphore_mem>>) src(%dma_wait3A_114 : memref<2097152xf32, #tpu.memory_space<hbm>>) dst(%dma_wait3A_110 : memref<128xf32, #tpu.memory_space<vmem>>)
    %dma_wait3A_115 = arith.constant 128 : i32
    %dma_wait3A_116 = tpu.memref_slice %arg5[%dma_wait3A_115] : memref<2048xf32, #tpu.memory_space<vmem>> -> memref<128xf32, #tpu.memory_space<vmem>>
    %dma_wait3A_117 = arith.constant 128 : i32
    %dma_wait3A_118 = tpu.memref_slice %arg4[%dma_wait3A_117] : memref<2048xi32, #tpu.memory_space<vmem>> -> memref<128xi32, #tpu.memory_space<vmem>>
    %dma_wait3A_119 = arith.constant 0 : i32
    %dma_wait3A_120 = tpu.memref_slice %arg2[%dma_wait3A_119] : memref<2097152xf32, #tpu.memory_space<hbm>> -> memref<2097152xf32, #tpu.memory_space<hbm>>
    tpu.wait_indirect_dma semaphore(%arg7 : memref<!tpu.dma_semaphore, #tpu.memory_space<semaphore_mem>>) src(%dma_wait3A_120 : memref<2097152xf32, #tpu.memory_space<hbm>>) dst(%dma_wait3A_116 : memref<128xf32, #tpu.memory_space<vmem>>)
    %dma_wait3A_121 = arith.constant 256 : i32
    %dma_wait3A_122 = tpu.memref_slice %arg5[%dma_wait3A_121] : memref<2048xf32, #tpu.memory_space<vmem>> -> memref<128xf32, #tpu.memory_space<vmem>>
    %dma_wait3A_123 = arith.constant 256 : i32
    %dma_wait3A_124 = tpu.memref_slice %arg4[%dma_wait3A_123] : memref<2048xi32, #tpu.memory_space<vmem>> -> memref<128xi32, #tpu.memory_space<vmem>>
    %dma_wait3A_125 = arith.constant 0 : i32
    %dma_wait3A_126 = tpu.memref_slice %arg2[%dma_wait3A_125] : memref<2097152xf32, #tpu.memory_space<hbm>> -> memref<2097152xf32, #tpu.memory_space<hbm>>
    tpu.wait_indirect_dma semaphore(%arg7 : memref<!tpu.dma_semaphore, #tpu.memory_space<semaphore_mem>>) src(%dma_wait3A_126 : memref<2097152xf32, #tpu.memory_space<hbm>>) dst(%dma_wait3A_122 : memref<128xf32, #tpu.memory_space<vmem>>)
    %dma_wait3A_127 = arith.constant 384 : i32
    %dma_wait3A_128 = tpu.memref_slice %arg5[%dma_wait3A_127] : memref<2048xf32, #tpu.memory_space<vmem>> -> memref<128xf32, #tpu.memory_space<vmem>>
    %dma_wait3A_129 = arith.constant 384 : i32
    %dma_wait3A_130 = tpu.memref_slice %arg4[%dma_wait3A_129] : memref<2048xi32, #tpu.memory_space<vmem>> -> memref<128xi32, #tpu.memory_space<vmem>>
    %dma_wait3A_131 = arith.constant 0 : i32
    %dma_wait3A_132 = tpu.memref_slice %arg2[%dma_wait3A_131] : memref<2097152xf32, #tpu.memory_space<hbm>> -> memref<2097152xf32, #tpu.memory_space<hbm>>
    tpu.wait_indirect_dma semaphore(%arg7 : memref<!tpu.dma_semaphore, #tpu.memory_space<semaphore_mem>>) src(%dma_wait3A_132 : memref<2097152xf32, #tpu.memory_space<hbm>>) dst(%dma_wait3A_128 : memref<128xf32, #tpu.memory_space<vmem>>)
    %dma_wait3A_133 = arith.constant 512 : i32
    %dma_wait3A_134 = tpu.memref_slice %arg5[%dma_wait3A_133] : memref<2048xf32, #tpu.memory_space<vmem>> -> memref<128xf32, #tpu.memory_space<vmem>>
    %dma_wait3A_135 = arith.constant 512 : i32
    %dma_wait3A_136 = tpu.memref_slice %arg4[%dma_wait3A_135] : memref<2048xi32, #tpu.memory_space<vmem>> -> memref<128xi32, #tpu.memory_space<vmem>>
    %dma_wait3A_137 = arith.constant 0 : i32
    %dma_wait3A_138 = tpu.memref_slice %arg2[%dma_wait3A_137] : memref<2097152xf32, #tpu.memory_space<hbm>> -> memref<2097152xf32, #tpu.memory_space<hbm>>
    tpu.wait_indirect_dma semaphore(%arg7 : memref<!tpu.dma_semaphore, #tpu.memory_space<semaphore_mem>>) src(%dma_wait3A_138 : memref<2097152xf32, #tpu.memory_space<hbm>>) dst(%dma_wait3A_134 : memref<128xf32, #tpu.memory_space<vmem>>)
    %dma_wait3A_139 = arith.constant 640 : i32
    %dma_wait3A_140 = tpu.memref_slice %arg5[%dma_wait3A_139] : memref<2048xf32, #tpu.memory_space<vmem>> -> memref<128xf32, #tpu.memory_space<vmem>>
    %dma_wait3A_141 = arith.constant 640 : i32
    %dma_wait3A_142 = tpu.memref_slice %arg4[%dma_wait3A_141] : memref<2048xi32, #tpu.memory_space<vmem>> -> memref<128xi32, #tpu.memory_space<vmem>>
    %dma_wait3A_143 = arith.constant 0 : i32
    %dma_wait3A_144 = tpu.memref_slice %arg2[%dma_wait3A_143] : memref<2097152xf32, #tpu.memory_space<hbm>> -> memref<2097152xf32, #tpu.memory_space<hbm>>
    tpu.wait_indirect_dma semaphore(%arg7 : memref<!tpu.dma_semaphore, #tpu.memory_space<semaphore_mem>>) src(%dma_wait3A_144 : memref<2097152xf32, #tpu.memory_space<hbm>>) dst(%dma_wait3A_140 : memref<128xf32, #tpu.memory_space<vmem>>)
    %dma_wait3A_145 = arith.constant 768 : i32
    %dma_wait3A_146 = tpu.memref_slice %arg5[%dma_wait3A_145] : memref<2048xf32, #tpu.memory_space<vmem>> -> memref<128xf32, #tpu.memory_space<vmem>>
    %dma_wait3A_147 = arith.constant 768 : i32
    %dma_wait3A_148 = tpu.memref_slice %arg4[%dma_wait3A_147] : memref<2048xi32, #tpu.memory_space<vmem>> -> memref<128xi32, #tpu.memory_space<vmem>>
    %dma_wait3A_149 = arith.constant 0 : i32
    %dma_wait3A_150 = tpu.memref_slice %arg2[%dma_wait3A_149] : memref<2097152xf32, #tpu.memory_space<hbm>> -> memref<2097152xf32, #tpu.memory_space<hbm>>
    tpu.wait_indirect_dma semaphore(%arg7 : memref<!tpu.dma_semaphore, #tpu.memory_space<semaphore_mem>>) src(%dma_wait3A_150 : memref<2097152xf32, #tpu.memory_space<hbm>>) dst(%dma_wait3A_146 : memref<128xf32, #tpu.memory_space<vmem>>)
    %dma_wait3A_151 = arith.constant 896 : i32
    %dma_wait3A_152 = tpu.memref_slice %arg5[%dma_wait3A_151] : memref<2048xf32, #tpu.memory_space<vmem>> -> memref<128xf32, #tpu.memory_space<vmem>>
    %dma_wait3A_153 = arith.constant 896 : i32
    %dma_wait3A_154 = tpu.memref_slice %arg4[%dma_wait3A_153] : memref<2048xi32, #tpu.memory_space<vmem>> -> memref<128xi32, #tpu.memory_space<vmem>>
    %dma_wait3A_155 = arith.constant 0 : i32
    %dma_wait3A_156 = tpu.memref_slice %arg2[%dma_wait3A_155] : memref<2097152xf32, #tpu.memory_space<hbm>> -> memref<2097152xf32, #tpu.memory_space<hbm>>
    tpu.wait_indirect_dma semaphore(%arg7 : memref<!tpu.dma_semaphore, #tpu.memory_space<semaphore_mem>>) src(%dma_wait3A_156 : memref<2097152xf32, #tpu.memory_space<hbm>>) dst(%dma_wait3A_152 : memref<128xf32, #tpu.memory_space<vmem>>)
    %dma_wait3A_157 = arith.constant 1024 : i32
    %dma_wait3A_158 = tpu.memref_slice %arg5[%dma_wait3A_157] : memref<2048xf32, #tpu.memory_space<vmem>> -> memref<128xf32, #tpu.memory_space<vmem>>
    %dma_wait3A_159 = arith.constant 1024 : i32
    %dma_wait3A_160 = tpu.memref_slice %arg4[%dma_wait3A_159] : memref<2048xi32, #tpu.memory_space<vmem>> -> memref<128xi32, #tpu.memory_space<vmem>>
    %dma_wait3A_161 = arith.constant 0 : i32
    %dma_wait3A_162 = tpu.memref_slice %arg2[%dma_wait3A_161] : memref<2097152xf32, #tpu.memory_space<hbm>> -> memref<2097152xf32, #tpu.memory_space<hbm>>
    tpu.wait_indirect_dma semaphore(%arg7 : memref<!tpu.dma_semaphore, #tpu.memory_space<semaphore_mem>>) src(%dma_wait3A_162 : memref<2097152xf32, #tpu.memory_space<hbm>>) dst(%dma_wait3A_158 : memref<128xf32, #tpu.memory_space<vmem>>)
    %dma_wait3A_163 = arith.constant 1152 : i32
    %dma_wait3A_164 = tpu.memref_slice %arg5[%dma_wait3A_163] : memref<2048xf32, #tpu.memory_space<vmem>> -> memref<128xf32, #tpu.memory_space<vmem>>
    %dma_wait3A_165 = arith.constant 1152 : i32
    %dma_wait3A_166 = tpu.memref_slice %arg4[%dma_wait3A_165] : memref<2048xi32, #tpu.memory_space<vmem>> -> memref<128xi32, #tpu.memory_space<vmem>>
    %dma_wait3A_167 = arith.constant 0 : i32
    %dma_wait3A_168 = tpu.memref_slice %arg2[%dma_wait3A_167] : memref<2097152xf32, #tpu.memory_space<hbm>> -> memref<2097152xf32, #tpu.memory_space<hbm>>
    tpu.wait_indirect_dma semaphore(%arg7 : memref<!tpu.dma_semaphore, #tpu.memory_space<semaphore_mem>>) src(%dma_wait3A_168 : memref<2097152xf32, #tpu.memory_space<hbm>>) dst(%dma_wait3A_164 : memref<128xf32, #tpu.memory_space<vmem>>)
    %dma_wait3A_169 = arith.constant 1280 : i32
    %dma_wait3A_170 = tpu.memref_slice %arg5[%dma_wait3A_169] : memref<2048xf32, #tpu.memory_space<vmem>> -> memref<128xf32, #tpu.memory_space<vmem>>
    %dma_wait3A_171 = arith.constant 1280 : i32
    %dma_wait3A_172 = tpu.memref_slice %arg4[%dma_wait3A_171] : memref<2048xi32, #tpu.memory_space<vmem>> -> memref<128xi32, #tpu.memory_space<vmem>>
    %dma_wait3A_173 = arith.constant 0 : i32
    %dma_wait3A_174 = tpu.memref_slice %arg2[%dma_wait3A_173] : memref<2097152xf32, #tpu.memory_space<hbm>> -> memref<2097152xf32, #tpu.memory_space<hbm>>
    tpu.wait_indirect_dma semaphore(%arg7 : memref<!tpu.dma_semaphore, #tpu.memory_space<semaphore_mem>>) src(%dma_wait3A_174 : memref<2097152xf32, #tpu.memory_space<hbm>>) dst(%dma_wait3A_170 : memref<128xf32, #tpu.memory_space<vmem>>)
    %dma_wait3A_175 = arith.constant 1408 : i32
    %dma_wait3A_176 = tpu.memref_slice %arg5[%dma_wait3A_175] : memref<2048xf32, #tpu.memory_space<vmem>> -> memref<128xf32, #tpu.memory_space<vmem>>
    %dma_wait3A_177 = arith.constant 1408 : i32
    %dma_wait3A_178 = tpu.memref_slice %arg4[%dma_wait3A_177] : memref<2048xi32, #tpu.memory_space<vmem>> -> memref<128xi32, #tpu.memory_space<vmem>>
    %dma_wait3A_179 = arith.constant 0 : i32
    %dma_wait3A_180 = tpu.memref_slice %arg2[%dma_wait3A_179] : memref<2097152xf32, #tpu.memory_space<hbm>> -> memref<2097152xf32, #tpu.memory_space<hbm>>
    tpu.wait_indirect_dma semaphore(%arg7 : memref<!tpu.dma_semaphore, #tpu.memory_space<semaphore_mem>>) src(%dma_wait3A_180 : memref<2097152xf32, #tpu.memory_space<hbm>>) dst(%dma_wait3A_176 : memref<128xf32, #tpu.memory_space<vmem>>)
    %dma_wait3A_181 = arith.constant 1536 : i32
    %dma_wait3A_182 = tpu.memref_slice %arg5[%dma_wait3A_181] : memref<2048xf32, #tpu.memory_space<vmem>> -> memref<128xf32, #tpu.memory_space<vmem>>
    %dma_wait3A_183 = arith.constant 1536 : i32
    %dma_wait3A_184 = tpu.memref_slice %arg4[%dma_wait3A_183] : memref<2048xi32, #tpu.memory_space<vmem>> -> memref<128xi32, #tpu.memory_space<vmem>>
    %dma_wait3A_185 = arith.constant 0 : i32
    %dma_wait3A_186 = tpu.memref_slice %arg2[%dma_wait3A_185] : memref<2097152xf32, #tpu.memory_space<hbm>> -> memref<2097152xf32, #tpu.memory_space<hbm>>
    tpu.wait_indirect_dma semaphore(%arg7 : memref<!tpu.dma_semaphore, #tpu.memory_space<semaphore_mem>>) src(%dma_wait3A_186 : memref<2097152xf32, #tpu.memory_space<hbm>>) dst(%dma_wait3A_182 : memref<128xf32, #tpu.memory_space<vmem>>)
    %dma_wait3A_187 = arith.constant 1664 : i32
    %dma_wait3A_188 = tpu.memref_slice %arg5[%dma_wait3A_187] : memref<2048xf32, #tpu.memory_space<vmem>> -> memref<128xf32, #tpu.memory_space<vmem>>
    %dma_wait3A_189 = arith.constant 1664 : i32
    %dma_wait3A_190 = tpu.memref_slice %arg4[%dma_wait3A_189] : memref<2048xi32, #tpu.memory_space<vmem>> -> memref<128xi32, #tpu.memory_space<vmem>>
    %dma_wait3A_191 = arith.constant 0 : i32
    %dma_wait3A_192 = tpu.memref_slice %arg2[%dma_wait3A_191] : memref<2097152xf32, #tpu.memory_space<hbm>> -> memref<2097152xf32, #tpu.memory_space<hbm>>
    tpu.wait_indirect_dma semaphore(%arg7 : memref<!tpu.dma_semaphore, #tpu.memory_space<semaphore_mem>>) src(%dma_wait3A_192 : memref<2097152xf32, #tpu.memory_space<hbm>>) dst(%dma_wait3A_188 : memref<128xf32, #tpu.memory_space<vmem>>)
    %dma_wait3A_193 = arith.constant 1792 : i32
    %dma_wait3A_194 = tpu.memref_slice %arg5[%dma_wait3A_193] : memref<2048xf32, #tpu.memory_space<vmem>> -> memref<128xf32, #tpu.memory_space<vmem>>
    %dma_wait3A_195 = arith.constant 1792 : i32
    %dma_wait3A_196 = tpu.memref_slice %arg4[%dma_wait3A_195] : memref<2048xi32, #tpu.memory_space<vmem>> -> memref<128xi32, #tpu.memory_space<vmem>>
    %dma_wait3A_197 = arith.constant 0 : i32
    %dma_wait3A_198 = tpu.memref_slice %arg2[%dma_wait3A_197] : memref<2097152xf32, #tpu.memory_space<hbm>> -> memref<2097152xf32, #tpu.memory_space<hbm>>
    tpu.wait_indirect_dma semaphore(%arg7 : memref<!tpu.dma_semaphore, #tpu.memory_space<semaphore_mem>>) src(%dma_wait3A_198 : memref<2097152xf32, #tpu.memory_space<hbm>>) dst(%dma_wait3A_194 : memref<128xf32, #tpu.memory_space<vmem>>)
    %dma_wait3A_199 = arith.constant 1920 : i32
    %dma_wait3A_200 = tpu.memref_slice %arg5[%dma_wait3A_199] : memref<2048xf32, #tpu.memory_space<vmem>> -> memref<128xf32, #tpu.memory_space<vmem>>
    %dma_wait3A_201 = arith.constant 1920 : i32
    %dma_wait3A_202 = tpu.memref_slice %arg4[%dma_wait3A_201] : memref<2048xi32, #tpu.memory_space<vmem>> -> memref<128xi32, #tpu.memory_space<vmem>>
    %dma_wait3A_203 = arith.constant 0 : i32
    %dma_wait3A_204 = tpu.memref_slice %arg2[%dma_wait3A_203] : memref<2097152xf32, #tpu.memory_space<hbm>> -> memref<2097152xf32, #tpu.memory_space<hbm>>
    tpu.wait_indirect_dma semaphore(%arg7 : memref<!tpu.dma_semaphore, #tpu.memory_space<semaphore_mem>>) src(%dma_wait3A_204 : memref<2097152xf32, #tpu.memory_space<hbm>>) dst(%dma_wait3A_200 : memref<128xf32, #tpu.memory_space<vmem>>)
    %eq3A = arith.constant 0 : i32
    %eq3A_205 = vector.broadcast %eq3A : i32 to vector<16xi32>
    %eq3A_206 = arith.cmpi eq, %and3A_6, %eq3A_205 : vector<16xi32>
    %eq3A_207 = arith.constant 1 : i32
    %eq3A_208 = vector.broadcast %eq3A_207 : i32 to vector<16xi32>
    %eq3A_209 = arith.cmpi eq, %and3A_6, %eq3A_208 : vector<16xi32>
    %eq3A_210 = arith.constant 2 : i32
    %eq3A_211 = vector.broadcast %eq3A_210 : i32 to vector<16xi32>
    %eq3A_212 = arith.cmpi eq, %and3A_6, %eq3A_211 : vector<16xi32>
    %scan3A_213 = arith.constant 0 : i32
    %scan3A_214 = arith.constant 0 : i32
    %scan3A_215 = arith.constant 128 : i32
    %scan3A_216 = arith.addi %scan3A_214, %scan3A_215 : i32
    %scan3A_217 = arith.constant 1 : i32
    scf.for %scan3A_221 = %scan3A_214 to %scan3A_216 step %scan3A_217  : i32 {
      %mul3A_222 = arith.constant 16 : i32
      %mul3A_223 = arith.muli %scan3A_221, %mul3A_222 : i32
      %get3A = arith.index_cast %mul3A_223 : i32 to index
      %get3A_224 = tpu.vector_load %arg5[%get3A] {strides = array<i32>} : memref<2048xf32, #tpu.memory_space<vmem>>, vector<16xf32>,
      %get3A_225 = vector.shape_cast %get3A_224 : vector<16xf32> to vector<16xf32>
      %lt3A = arith.constant 0 : i32
      %lt3A_226 = vector.broadcast %lt3A : i32 to vector<16xi32>
      %lt3A_227 = arith.cmpi slt, %and3A_9, %lt3A_226 : vector<16xi32>
      %add3A_228 = arith.constant 16 : i32
      %add3A_229 = vector.broadcast %add3A_228 : i32 to vector<16xi32>
      %add3A_230 = arith.addi %and3A_9, %add3A_229 : vector<16xi32>
      %select_n3A = arith.select %lt3A_227, %add3A_230, %and3A_9 : vector<16xi1>, vector<16xi32>
      %broadcast_in_dim3A = vector.shape_cast %select_n3A : vector<16xi32> to vector<16x1xi32>
      %gather3A = vector.shape_cast %broadcast_in_dim3A : vector<16x1xi32> to vector<16xi32>
      %gather3A_231 = tpu.dynamic_gather %get3A_225[%gather3A] in [0] : vector<16xf32>, vector<16xi32> -> vector<16xf32>
      %add3A_232 = arith.constant 1 : i32
      %add3A_233 = vector.broadcast %add3A_232 : i32 to vector<16xi32>
      %add3A_234 = arith.addi %and3A_9, %add3A_233 : vector<16xi32>
      %lt3A_235 = arith.constant 0 : i32
      %lt3A_236 = vector.broadcast %lt3A_235 : i32 to vector<16xi32>
      %lt3A_237 = arith.cmpi slt, %add3A_234, %lt3A_236 : vector<16xi32>
      %add3A_238 = arith.constant 16 : i32
      %add3A_239 = vector.broadcast %add3A_238 : i32 to vector<16xi32>
      %add3A_240 = arith.addi %add3A_234, %add3A_239 : vector<16xi32>
      %select_n3A_241 = arith.select %lt3A_237, %add3A_240, %add3A_234 : vector<16xi1>, vector<16xi32>
      %broadcast_in_dim3A_242 = vector.shape_cast %select_n3A_241 : vector<16xi32> to vector<16x1xi32>
      %gather3A_243 = vector.shape_cast %broadcast_in_dim3A_242 : vector<16x1xi32> to vector<16xi32>
      %gather3A_244 = tpu.dynamic_gather %get3A_225[%gather3A_243] in [0] : vector<16xf32>, vector<16xi32> -> vector<16xf32>
      %add3A_245 = arith.constant 2 : i32
      %add3A_246 = vector.broadcast %add3A_245 : i32 to vector<16xi32>
      %add3A_247 = arith.addi %and3A_9, %add3A_246 : vector<16xi32>
      %lt3A_248 = arith.constant 0 : i32
      %lt3A_249 = vector.broadcast %lt3A_248 : i32 to vector<16xi32>
      %lt3A_250 = arith.cmpi slt, %add3A_247, %lt3A_249 : vector<16xi32>
      %add3A_251 = arith.constant 16 : i32
      %add3A_252 = vector.broadcast %add3A_251 : i32 to vector<16xi32>
      %add3A_253 = arith.addi %add3A_247, %add3A_252 : vector<16xi32>
      %select_n3A_254 = arith.select %lt3A_250, %add3A_253, %add3A_247 : vector<16xi1>, vector<16xi32>
      %broadcast_in_dim3A_255 = vector.shape_cast %select_n3A_254 : vector<16xi32> to vector<16x1xi32>
      %gather3A_256 = vector.shape_cast %broadcast_in_dim3A_255 : vector<16x1xi32> to vector<16xi32>
      %gather3A_257 = tpu.dynamic_gather %get3A_225[%gather3A_256] in [0] : vector<16xf32>, vector<16xi32> -> vector<16xf32>
      %add3A_258 = arith.constant 3 : i32
      %add3A_259 = vector.broadcast %add3A_258 : i32 to vector<16xi32>
      %add3A_260 = arith.addi %and3A_9, %add3A_259 : vector<16xi32>
      %lt3A_261 = arith.constant 0 : i32
      %lt3A_262 = vector.broadcast %lt3A_261 : i32 to vector<16xi32>
      %lt3A_263 = arith.cmpi slt, %add3A_260, %lt3A_262 : vector<16xi32>
      %add3A_264 = arith.constant 16 : i32
      %add3A_265 = vector.broadcast %add3A_264 : i32 to vector<16xi32>
      %add3A_266 = arith.addi %add3A_260, %add3A_265 : vector<16xi32>
      %select_n3A_267 = arith.select %lt3A_263, %add3A_266, %add3A_260 : vector<16xi1>, vector<16xi32>
      %broadcast_in_dim3A_268 = vector.shape_cast %select_n3A_267 : vector<16xi32> to vector<16x1xi32>
      %gather3A_269 = vector.shape_cast %broadcast_in_dim3A_268 : vector<16x1xi32> to vector<16xi32>
      %gather3A_270 = tpu.dynamic_gather %get3A_225[%gather3A_269] in [0] : vector<16xf32>, vector<16xi32> -> vector<16xf32>
      %div3A = arith.constant 1.000000e+00 : f32
      %div3A_271 = vector.broadcast %div3A : f32 to vector<16xf32>
      %div3A_272 = arith.divf %div3A_271, %gather3A_244 : vector<16xf32>
      %sub3A = arith.constant 1.000000e+00 : f32
      %sub3A_273 = vector.broadcast %sub3A : f32 to vector<16xf32>
      %sub3A_274 = arith.subf %div3A_272, %sub3A_273 : vector<16xf32>
      %div3A_275 = arith.divf %gather3A_231, %sub3A_274 : vector<16xf32>
      %div3A_276 = arith.divf %div3A_275, %gather3A_257 : vector<16xf32>
      %sub3A_277 = arith.subf %div3A_276, %div3A_275 : vector<16xf32>
      %sub3A_278 = arith.constant 1.000000e+00 : f32
      %sub3A_279 = vector.broadcast %sub3A_278 : f32 to vector<16xf32>
      %sub3A_280 = arith.subf %sub3A_279, %gather3A_270 : vector<16xf32>
      %mul3A_281 = arith.mulf %sub3A_280, %sub3A_277 : vector<16xf32>
      %mul3A_282 = arith.mulf %gather3A_270, %sub3A_277 : vector<16xf32>
      %select_n3A_283 = arith.select %eq3A_212, %mul3A_281, %mul3A_282 : vector<16xi1>, vector<16xf32>
      %select_n3A_284 = arith.select %eq3A_209, %div3A_275, %select_n3A_283 : vector<16xi1>, vector<16xf32>
      %select_n3A_285 = arith.select %eq3A_206, %gather3A_231, %select_n3A_284 : vector<16xi1>, vector<16xf32>
      %mul3A_286 = arith.constant 16 : i32
      %mul3A_287 = arith.muli %scan3A_221, %mul3A_286 : i32
      %swap3A = arith.index_cast %mul3A_287 : i32 to index
      %swap3A_288 = tpu.vector_load %arg6[%swap3A] {strides = array<i32>} : memref<2048xf32, #tpu.memory_space<vmem>>, vector<16xf32>,
      %swap3A_289 = vector.shape_cast %swap3A_288 : vector<16xf32> to vector<16xf32>
      %swap3A_290 = vector.shape_cast %select_n3A_285 : vector<16xf32> to vector<16xf32>
      tpu.vector_store %arg6[%swap3A], %swap3A_290 {strides = array<i32>} : memref<2048xf32, #tpu.memory_space<vmem>>, vector<16xf32>,
    }
    %scan3A_218 = arith.constant 128 : i32
    %mul3A_219 = arith.constant 2048 : i32
    %mul3A_220 = arith.muli %add3A, %mul3A_219 : i32
    "tpu.region"() ({
      %run_scoped3A = tpu.sem_alloc : memref<!tpu.dma_semaphore, #tpu.memory_space<semaphore_mem>>
      %dma_start3A_221 = tpu.memref_slice %arg3[%mul3A_220] : memref<65536xf32, #tpu.memory_space<hbm>> -> memref<2048xf32, #tpu.memory_space<hbm>>
      %dma_start3A_222 = tpu.memref_slice %arg3[%mul3A_220] : memref<65536xf32, #tpu.memory_space<hbm>> -> memref<2048xf32, #tpu.memory_space<hbm>>
      tpu.enqueue_dma source(%arg6 : memref<2048xf32, #tpu.memory_space<vmem>>) target(%dma_start3A_222 : memref<2048xf32, #tpu.memory_space<hbm>>) target_semaphore(%run_scoped3A : memref<!tpu.dma_semaphore, #tpu.memory_space<semaphore_mem>>)
      %dma_wait3A_223 = tpu.memref_slice %arg3[%mul3A_220] : memref<65536xf32, #tpu.memory_space<hbm>> -> memref<2048xf32, #tpu.memory_space<hbm>>
      %dma_wait3A_224 = tpu.memref_slice %arg3[%mul3A_220] : memref<65536xf32, #tpu.memory_space<hbm>> -> memref<2048xf32, #tpu.memory_space<hbm>>
      tpu.wait_dma2 semaphore(%run_scoped3A : memref<!tpu.dma_semaphore, #tpu.memory_space<semaphore_mem>>) src(%arg6 : memref<2048xf32, #tpu.memory_space<vmem>>) dst(%dma_wait3A_224 : memref<2048xf32, #tpu.memory_space<hbm>>)
      tpu.yield
    }) : () -> ()
    return
  }
}

</mosaic_0001>

<sc_bundles>
// kernel: kernel.3.cloned.1.call-start
scs
__scs_entry_jumppad:
0x0: {  	(pc) =	sbr.rel $0x88, $3  }
0x1: {  	(tag) =	ssettag $0x0;
	lr =	simm.s32 $0x1  }
0x2: {  	[smem:$0x3FA0] =	sst lr;
	_ =	strace $0xD0000000  }
0x3: {  	_ = 	snop  }
0x4: {  	_ = 	snop  }
0x5: {  	_ = 	snop  }
0x6: {  	_ = 	snop  }
0x7: {  	_ = 	snop  }
__scs_overlays_trampoline_lowered:
0x8: {  	[smem:$0x3FAF] =	sst s0  }
0x9: {  	[smem:$0x3FB0] =	sst s1  }
0xa: {  	[smem:$0x3FB1] =	sst s2  }
0xb: {  	[smem:$0x3FB2] =	sst s3  }
0xc: {  	[smem:$0x3FB3] =	sst s4  }
0xd: {  	[smem:$0x3FB4] =	sst s5  }
0xe: {  	[smem:$0x3FB5] =	sst s6  }
0xf: {  	[smem:$0x3FB6] =	sst s7  }
0x10: {  	[smem:$0x3FB7] =	sst s8  }
0x11: {  	[smem:$0x3FB8] =	sst s9;
	s0 =	simm.s32 @!p0 $0x0  }
0x12: {  	s1 =	sld [smem:$0x3F9E];
	s0 =	simm.s32 @p0 $0x1  }
0x13: {  	[smem:$0x3FB9] =	sst s0;
	s0 =	simm.s32 @!p1 $0x0  }
0x14: {  	s2 =	sld [smem:$0x3F9D];
	s0 =	simm.s32 @p1 $0x1  }
0x15: {  	[smem:$0x3FBA] =	sst s0;
	s0 =	simm.s32 @!p2 $0x0  }
0x16: {  	s3 =	sld [smem:$0x3FDB];
	s0 =	simm.s32 @p2 $0x1  }
0x17: {  	s4 =	simm.s32 $0x1BF5;
	[smem:$0x3FBC] =	sst s0  }
0x18: {  	s0 =	sld [smem:$0x3F9F];
	_ =	swait.ge [sflag:s4], $0x0  }
0x19: {  	s7 =	sld [smem:$0x3FA0]  }
0x1a: {  	s8 =	sadd.s32 $0xFFFFE003, lr  }
0x1b: {  	s9 =	sadd.s32 $0xFFFFFEF7, lr;
	s5 =	simm.s32 $0xFFFFFFFF;
	p2 =	slt.u32 s8, $0xFFFFF086  }
0x1c: {  	p1 =	slt.u32 s9, $0xF7A;
	s5 =	simm.s32 @!p2 $0x0  }
0x1d: {  	s5 =	simm.s32 @p1 $0x1;
	p0 =	seq.s32 s7, s2  }
0x1e: {  	s7 =	smul.u32 @!p0 $0xF7A, s2;
	p2 =	seq.s32 @!p0 s5, $0x0  }
0x1f: {  	s9 =	smul.u32 $0xF7A, s1;
	s8 =	simm.s32 @!p0 $0x1BF5;
	p2 =	por !p2, p0  }
0x20: {  	[sflag:s8] =	ssyncset.s32 @!p0 $0xFFFFF086;
	s6 =	sadd.s32 @!p0 s3, s7;
	s7 =	simm.s32 @!p0 $0x108  }
0x21: {  	s3 =	sadd.s32 s3, s9;
	s6 =	sadd.s32 @!p0 $0x88, s6;
	s7 =	simm.s32 @p2 $0x1082  }
0x22: {  	[simem:s7], [sflag:s8] =	dma.local @!p0 [hbm:s6], $0xF7A  }
0x23: {  	s9 =	sor.u32 $0xD0000000, s2;
	s6 =	simm.s32 $0x108;
	_ =	swait.ge @!p0 [sflag:s8], $0x0  }
0x24: {  	s3 =	sadd.s32 $0x88, s3;
	s6 =	simm.s32 @!p1 $0x1082;
	[sflag:s4] =	ssyncset.s32 $0xFFFFF086  }
0x25: {  	[simem:s6], [sflag:s4] =	dma.local [hbm:s3], $0xF7A  }
0x26: {  	[smem:$0x3FA0] =	sst s1;
	(tag) =	ssettag s2;
	_ =	strace s9  }
0x27: {  	s1 =	sld [smem:$0x3FB0]  }
0x28: {  	s2 =	sld [smem:$0x3FB1]  }
0x29: {  	s4 =	sld [smem:$0x3FB3]  }
0x2a: {  	p0 =	seq.s32 s5, $0x0;
	s5 =	sld [smem:$0x3FB4]  }
0x2b: {  	s6 =	sld [smem:$0x3FB5]  }
0x2c: {  	s7 =	sld [smem:$0x3FB6]  }
0x2d: {  	s3 =	simm.s32 $0x108;
	s8 =	sld [smem:$0x3FB7]  }
0x2e: {  	s3 =	simm.s32 @!p0 $0x1082;
	s9 =	sld [smem:$0x3FB8]  }
0x2f: {  	lr =	sadd.s32 s0, s3;
	s0 =	sld [smem:$0x3FAF]  }
0x30: {  	s3 =	sld [smem:$0x3FB2]  }
0x31: {  	[smem:$0x3FBB] =	sst s10  }
0x32: {  	s10 =	sld [smem:$0x3FB9];
	_ =	sdelay $0x3  }
0x33: {  	p0 =	seq.s32 s10, $0x1;
	s10 =	sld [smem:$0x3FBB];
	_ =	sdelay $0x3  }
0x34: {  	[smem:$0x3FBB] =	sst s10  }
0x35: {  	s10 =	sld [smem:$0x3FBA];
	_ =	sdelay $0x3  }
0x36: {  	p1 =	seq.s32 s10, $0x1;
	s10 =	sld [smem:$0x3FBB];
	_ =	sdelay $0x3  }
0x37: {  	[smem:$0x3FBB] =	sst s10  }
0x38: {  	s10 =	sld [smem:$0x3FBC]  }
0x39: {  	_ = 	snop;
	(pc) =	sbr.ind lr, $3  }
0x3a: {  	_ = 	snop  }
0x3b: {  	_ = 	snop  }
0x3c: {  	p2 =	seq.s32 s10, $0x1;
	s10 =	sld [smem:$0x3FBB]  }
0x3d: {  	_ =	shalt  }
0x3e: {  	_ =	shalt  }
0x3f: {  	_ =	shalt  }
0x40: {  	_ =	shalt  }
0x41: {  	_ =	shalt  }
0x42: {  	_ =	shalt  }
0x43: {  	_ =	shalt  }
0x44: {  	_ =	shalt  }
0x45: {  	_ =	shalt  }
0x46: {  	_ =	shalt  }
0x47: {  	_ =	shalt  }
0x48: {  	_ =	shalt  }
0x49: {  	_ =	shalt  }
0x4a: {  	_ =	shalt  }
0x4b: {  	_ =	shalt  }
0x4c: {  	_ =	shalt  }
0x4d: {  	_ =	shalt  }
0x4e: {  	_ =	shalt  }
0x4f: {  	_ =	shalt  }
0x50: {  	_ =	shalt  }
0x51: {  	_ =	shalt  }
0x52: {  	_ =	shalt  }
0x53: {  	_ =	shalt  }
0x54: {  	_ =	shalt  }
0x55: {  	_ =	shalt  }
0x56: {  	_ =	shalt  }
0x57: {  	_ =	shalt  }
0x58: {  	_ =	shalt  }
0x59: {  	_ =	shalt  }
0x5a: {  	_ =	shalt  }
0x5b: {  	_ =	shalt  }
0x5c: {  	_ =	shalt  }
0x5d: {  	_ =	shalt  }
0x5e: {  	_ =	shalt  }
0x5f: {  	_ =	shalt  }
0x60: {  	_ =	shalt  }
0x61: {  	_ =	shalt  }
0x62: {  	_ =	shalt  }
0x63: {  	_ =	shalt  }
0x64: {  	_ =	shalt  }
0x65: {  	_ =	shalt  }
0x66: {  	_ =	shalt  }
0x67: {  	_ =	shalt  }
0x68: {  	_ =	shalt  }
0x69: {  	_ =	shalt  }
0x6a: {  	_ =	shalt  }
0x6b: {  	_ =	shalt  }
0x6c: {  	_ =	shalt  }
0x6d: {  	_ =	shalt  }
0x6e: {  	_ =	shalt  }
0x6f: {  	_ =	shalt  }
0x70: {  	_ =	shalt  }
0x71: {  	_ =	shalt  }
0x72: {  	_ =	shalt  }
0x73: {  	_ =	shalt  }
0x74: {  	_ =	shalt  }
0x75: {  	_ =	shalt  }
0x76: {  	_ =	shalt  }
0x77: {  	_ =	shalt  }
0x78: {  	_ =	shalt  }
0x79: {  	_ =	shalt  }
0x7a: {  	_ =	shalt  }
0x7b: {  	_ =	shalt  }
0x7c: {  	_ =	shalt  }
0x7d: {  	_ =	shalt  }
0x7e: {  	_ =	shalt  }
0x7f: {  	_ =	shalt  }
0x80: {  	_ =	shalt  }
0x81: {  	_ =	shalt  }
0x82: {  	_ =	shalt  }
0x83: {  	_ =	shalt  }
0x84: {  	_ =	shalt  }
0x85: {  	_ =	shalt  }
0x86: {  	_ =	shalt  }
0x87: {  	_ =	shalt  }
.Lfunc_end0:
.L_simem_size_0:
called_computation_lowered:
.L_overlay_start_0:
0x88: {  	s2 =	sld [smem:$0x3FD9]  }
0x89: {  	s3 =	sld [smem:$0x3FFE];
	_ =	sdelay $0x1  }
0x8a: {  	s1 =	srdreg.scid  }
0x8b: {  	s0 =	sand.u32 $0x1, s1  }
0x8c: {  	s18 =	sshll.u32 s0, $0xA;
	s2 =	sadd.s32 s3, s2  }
0x8d: {  	s2 =	sadd.s32 s2, s18  }
0x8e: {  	[smem:$0x3FC7] =	sst s2  }
0x8f: {  	_ = 	snop  }
0x90: {  	s2 =	sld [smem:$0x3FC9]  }
0x91: {  	s19 =	sld [smem:$0x3FD0];
	(tm) =	ssettm $0x1  }
0x92: {  	s4 =	sld [smem:$0x3FFB];
	_ =	sdelay $0x3  }
0x93: {  	_ =	strace s4  }
0x94: {  	s4 =	sld [smem:$0x3FFC];
	_ =	sdelay $0x3  }
0x95: {  	_ =	strace s4  }
0x96: {  	s4 =	sld [smem:$0x3FFD];
	_ =	sdelay $0x3  }
0x97: {  	_ =	strace s4  }
0x98: {  	_ =	strace $0x8FFFFFFF  }
0x99: {  	s20 =	sld [smem:$0x3FDB];
	_ =	sdelay $0x1  }
0x9a: {  	s5 =	simm.s32 $_scs_section_size  }
0x9b: {  	s6 =	simm.s32 $_size__tile_overlayer_lowered;
	s7 =	simm.s32 $_tile_overlayer_lowered  }
0x9c: {  	s23 =	simm.s32 $0x1BFF;
	s22 =	sshll.u32 s7, $0x1;
	s4 =	sadd.s32 s5, s20  }
0x9d: {  	s8 =	simm.s32 $0x0;
	s21 =	sshll.u32 s6, $0x1;
	s6 =	sadd.s32 s22, s4  }
0x9e: {  	[timem:s8], [sflag:s23] =	dma.local [hbm:s6], s21  }
0x9f: {  	_ =	swait.ge [sflag:s23], s21  }
0xa0: {  	s5 =	ssub.s32 $0x0, s21;
	[sflag:s23] =	ssyncset.done $0x0  }
0xa1: {  	[sflag:s23] =	ssyncadd.s32 s5;
	_ =	sdelay $0x1  }
0xa2: {  	s24 =	simm.s32 $0x1B8B  }
0xa3: {  	_ =	swait.ge [sflag:s24], $0x1  }
0xa4: {  	[sflag:s24] =	ssyncset.done $0x0  }
0xa5: {  	s25 =	simm.s32 $0x1B8E;
	[sflag:s24] =	ssyncadd.s32 $0xFFFFFFFF  }
0xa6: {  	s26 =	simm.s32 $execute0_lowered;
	[smem:$0x3FD2] =	sst s25  }
0xa7: {  	s5 =	sshll.u32 s26, $0x1;
	_ =	strace $0x80000046;
	[dreg:$0x1] =	wrdreg $0xFFFFFFFF  }
0xa8: {  	s28 =	simm.s32 $_size_execute0_lowered;
	s4 =	sadd.s32 s4, s5;
	[dreg:$0x0] =	wrdreg $0x0  }
0xa9: {  	s5 =	sshll.u32 s28, $0x1;
	[dreg:$0x2] =	wrdreg s4  }
0xaa: {  	[dreg:$0x3] =	wrdreg s5  }
0xab: {  	[dreg:$0x4] =	wrdreg $0xC0  }
0xac: {  	_ =	task [dreg:s8], $0x5FFFF  }
0xad: {  	[dreg:$0x1] =	wrdreg $0xFFFFFFFF  }
0xae: {  	[dreg:$0x0] =	wrdreg $0x60  }
0xaf: {  	[dreg:$0x2] =	wrdreg s2  }
0xb0: {  	[dreg:$0x3] =	wrdreg s19  }
0xb1: {  	[dreg:$0x4] =	wrdreg $0x9  }
0xb2: {  	_ =	task.clear_ibuf [dreg:s8], $0x5FFFF;
	_ =	strace $0x90000046  }
0xb3: {  	s29 =	simm.s32 $0x9;
	_ =	strace $0x80000048  }
0xb4: {  	_ =	swait.ge [sflag:s29], $0x1  }
0xb5: {  	[sflag:s29] =	ssyncadd.s32 $0xFFFFFFFF  }
0xb6: {  	_ =	strace $0x90000048  }
0xb7: {  	_ =	sfence  }
0xb8: {  	s30 =	sld [smem:$0x0];
	_ =	sdelay $0x2  }
0xb9: {  	s31 =	sshll.u32 s1, $0xD;
	s1 =	sshrl.u32 s1, $0x2  }
0xba: {  	s3 =	sand.u32 $0x4000, s31;
	s1 =	sadd.s32 s1, s30  }
0xbb: {  	s0 =	sor.u32 s3, s0;
	s1 =	sshll.u32 s1, $0x11  }
0xbc: {  	s0 =	sor.u32 s1, s0  }
0xbd: {  	s0 =	sadd.s32 $0x8F2B, s0  }
0xbe: {  	[sflag:s0] =	ssyncadd.remote.s32 $0x1  }
0xbf: {  	_ =	sfence.sel $0xFFFF  }
0xc0: {  	[dreg:$0x0] =	wrdreg $0xFFFFFFFF;
	(pc) =	sbr.abs _section_cstart, $3  }
0xc1: {  	[dreg:$0x1] =	wrdreg $0xFFFFFFFF  }
0xc2: {  	_ =	task.clear_ibuf [dreg:s8], $0x2FFFF;
	_ =	strace $0x9FFFFFFF  }
0xc3: {  	(tm) =	ssettm $0x7FFFFFFF  }
tec
execute0_lowered:
.L_overlay_start_1:
0x0: {  	(tag) =	ssettag $0x1  }
0x1: {  	s1 =	rddreg [dreg:$0x0]  }
0x2: {  	s0 =	rddreg [dreg:$0x1]  }
0x3: {  	s2 =	srdreg.scid;
	s6 =	simm.s32 $0x0;
	s7 =	stileid.u32  }
0x4: {  	s24 =	simm.s32 $0x480;
	s28 =	simm.s32 $0xD00;
	s29 =	simm.s32 $0x580  }
0x5: {  	v1 =	vlaneseq.u32;
	vm0 =	vcmask $0x1F1C;
	vm1 =	vcmask $0xF0C;
	s30 =	simm.s32 $0xD80;
	s31 =	simm.s32 $0x600;
	s8 =	simm.s32 $0x700  }
0x6: {  	vm2 =	vcmask $0xF08;
	vm3 =	vcmask $0x3F3C;
	s9 =	simm.s32 $0xF00;
	s10 =	simm.s32 $0x780;
	s11 =	simm.s32 $0xF80;
	v2 =	vshrl.u32 v1, $0x2  }
0x7: {  	s12 =	simm.s32 $0x1;
	s13 =	simm.s32 $0x1000;
	s14 =	simm.s32 $0x2;
	v3 =	vand.u32 $0x3, v1;
	vm0 =	vmor vm1, vm0;
	vm1 =	vcmask $0x2F2C  }
0x8: {  	s15 =	simm.s32 $0x0;
	s2 =	sand.u32 $0x1, s2;
	s4 =	sshll.u32 s7, $0x9;
	v0 =	vmul.u32 $0x80, v2;
	vm0 =	vmor vm0, vm1;
	vm1 =	vcmask $0x1F18  }
0x9: {  	[smem:$0x7FF] =	sst s6;
	s26 =	sshll.u32 s7, $0xA;
	s7 =	simm.s32 $0x80;
	v1 =	vmul.u32 $0x4, v2;
	vm1 =	vmor vm2, vm1;
	vm2 =	vcmask $0x2F28  }
0xa: {  	s3 =	ssub.s32 $0x2, s2;
	s5 =	sshll.u32 s2, $0x8;
	_ =	strace $0x80000047;
	vm0 =	vmor vm0, vm3;
	vm1 =	vmor vm1, vm2;
	vm2 =	vcmask $0x3F38  }
0xb: {  	s2 =	sshll.u32 s2, $0x9;
	s25 =	sshrl.u32 s3, $0x1;
	s4 =	sor.u32 s5, s4;
	vm3 =	vcmask $0x300;
	vm1 =	vmor vm1, vm2;
	vm2 =	vcmask $0x1310  }
0xc: {  	v2 =	vor.u32 $0x4, v3;
	s6 =	sor.u32 s2, s26;
	s26 =	simm.s32 $0x500;
	s2 =	simm.s32 $0x680;
	vm2 =	vmor vm3, vm2;
	vm3 =	vcmask $0x2320  }
0xd: {  	s3 =	ssub.s32 s3, s25;
	s4 =	sadd.s32 s0, s4;
	s25 =	simm.s32 $0xC80;
	v3 =	vor.u32 $0x1, v1;
	vm2 =	vmor vm2, vm3;
	vm3 =	vcmask $0x3330  }
0xe: {  	s0 =	simm.s32 $0xE00;
	v4 =	vor.u32 $0x2, v1;
	v5 =	vor.u32 $0x3, v1;
	s5 =	smax.u32 s3, $0x1;
	s3 =	simm.s32 $0xE80;
	vm2 =	vmor vm2, vm3  }
.LBB2_1:
0xf: {  	v6 =	vmov s6  }
0x10: {  	v6 =	vshll.u32 v6, $0x7  }
0x11: {  	v6 =	vor.u32 v0, v6  }
0x12: {  	s16 =	simm.s32 $0x40;
	s18 =	simm.s32 $0x0;
	s17 =	smov.u32 s6;
	v6 =	vor.u32 v2, v6  }
.LBB2_2:
0x13: {  	p0 =	sne.s32 s16, $0x1FC0  }
0x14: {  	[tilespmem:s18+$0x0] =	vst v6;
	s17 =	sadd.s32 $0x4, s17;
	s18 =	smov.u32 s16;
	s16 =	sadd.s32 $0x40, s16  }
.Ltmp0:
0x15: {  	(pc) =	sbr.rel @p0 .LBB2_2-.Ltmp0, $4  }
0x16: {  	v6 =	vmov s17  }
0x17: {  	v6 =	vshll.u32 v6, $0x7  }
0x18: {  	v6 =	vor.u32 v0, v6  }
0x19: {  	s18 =	sshra.s32 s18, $0x2;
	v6 =	vor.u32 v2, v6  }
0x1a: {  	[tilespmem:s18+$0x0] =	vst v6;
	s16 =	simm.s32 $0x0;
	s17 =	simm.s32 $0x800  }
0x1b: {  	[tilespmem:s17], [sflag:$0x1] =	stream.indirect.gather [hbm4b:s1+s7], $0x1, s16, s7, $0xb8;
	[tilespmem:$0x1800] =	vst v63  }
0x1c: {  	s21 =	simm.s32 $0x880  }
0x1d: {  	[tilespmem:s21], [sflag:$0x1] =	stream.indirect.gather [hbm4b:s1+s7], $0x1, s7, s7, $0xb8;
	[tilespmem:$0x1800] =	vst v63  }
0x1e: {  	s22 =	simm.s32 $0x100;
	s23 =	simm.s32 $0x900  }
0x1f: {  	[tilespmem:s23], [sflag:$0x1] =	stream.indirect.gather [hbm4b:s1+s7], $0x1, s22, s7, $0xb8;
	[tilespmem:$0x1800] =	vst v63  }
0x20: {  	s18 =	simm.s32 $0x180;
	s19 =	simm.s32 $0x980  }
0x21: {  	[tilespmem:s19], [sflag:$0x1] =	stream.indirect.gather [hbm4b:s1+s7], $0x1, s18, s7, $0xb8;
	[tilespmem:$0x1800] =	vst v63  }
0x22: {  	s20 =	simm.s32 $0x200;
	s21 =	simm.s32 $0xA00  }
0x23: {  	[tilespmem:s21], [sflag:$0x1] =	stream.indirect.gather [hbm4b:s1+s7], $0x1, s20, s7, $0xb8;
	[tilespmem:$0x1800] =	vst v63  }
0x24: {  	s22 =	simm.s32 $0x280;
	s23 =	simm.s32 $0xA80  }
0x25: {  	[tilespmem:s23], [sflag:$0x1] =	stream.indirect.gather [hbm4b:s1+s7], $0x1, s22, s7, $0xb8;
	[tilespmem:$0x1800] =	vst v63  }
0x26: {  	s18 =	simm.s32 $0x300;
	s19 =	simm.s32 $0xB00  }
0x27: {  	[tilespmem:s19], [sflag:$0x1] =	stream.indirect.gather [hbm4b:s1+s7], $0x1, s18, s7, $0xb8;
	[tilespmem:$0x1800] =	vst v63  }
0x28: {  	s20 =	simm.s32 $0x380;
	s21 =	simm.s32 $0xB80  }
0x29: {  	[tilespmem:s21], [sflag:$0x1] =	stream.indirect.gather [hbm4b:s1+s7], $0x1, s20, s7, $0xb8;
	[tilespmem:$0x1800] =	vst v63  }
0x2a: {  	s22 =	simm.s32 $0x400;
	s23 =	simm.s32 $0xC00  }
0x2b: {  	[tilespmem:s23], [sflag:$0x1] =	stream.indirect.gather [hbm4b:s1+s7], $0x1, s22, s7, $0xb8;
	[tilespmem:$0x1800] =	vst v63  }
0x2c: {  	_ = 	snop  }
0x2d: {  	[tilespmem:s25], [sflag:$0x1] =	stream.indirect.gather [hbm4b:s1+s7], $0x1, s24, s7, $0xb8;
	[tilespmem:$0x1800] =	vst v63  }
0x2e: {  	_ = 	snop  }
0x2f: {  	[tilespmem:s28], [sflag:$0x1] =	stream.indirect.gather [hbm4b:s1+s7], $0x1, s26, s7, $0xb8;
	[tilespmem:$0x1800] =	vst v63  }
0x30: {  	_ = 	snop  }
0x31: {  	[tilespmem:s30], [sflag:$0x1] =	stream.indirect.gather [hbm4b:s1+s7], $0x1, s29, s7, $0xb8;
	[tilespmem:$0x1800] =	vst v63  }
0x32: {  	_ = 	snop  }
0x33: {  	[tilespmem:s0], [sflag:$0x1] =	stream.indirect.gather [hbm4b:s1+s7], $0x1, s31, s7, $0xb8;
	[tilespmem:$0x1800] =	vst v63  }
0x34: {  	_ = 	snop  }
0x35: {  	[tilespmem:s3], [sflag:$0x1] =	stream.indirect.gather [hbm4b:s1+s7], $0x1, s2, s7, $0xb8;
	[tilespmem:$0x1800] =	vst v63  }
0x36: {  	_ = 	snop  }
0x37: {  	[tilespmem:s9], [sflag:$0x1] =	stream.indirect.gather [hbm4b:s1+s7], $0x1, s8, s7, $0xb8;
	[tilespmem:$0x1800] =	vst v63  }
0x38: {  	_ = 	snop  }
0x39: {  	[tilespmem:s11], [sflag:$0x1] =	stream.indirect.gather [hbm4b:s1+s7], $0x1, s10, s7, $0xb8;
	[tilespmem:$0x1800] =	vst v63  }
0x3a: {  	_ =	swait.ge [sflag:s12], $0x80  }
0x3b: {  	[sflag:s12] =	ssyncset.done $0x0  }
0x3c: {  	[sflag:s12] =	ssyncadd.s32 $0xFFFFFF80  }
0x3d: {  	_ =	swait.ge [sflag:s12], $0x80  }
0x3e: {  	[sflag:s12] =	ssyncset.done $0x0  }
0x3f: {  	[sflag:s12] =	ssyncadd.s32 $0xFFFFFF80  }
0x40: {  	_ =	swait.ge [sflag:s12], $0x80  }
0x41: {  	[sflag:s12] =	ssyncset.done $0x0  }
0x42: {  	[sflag:s12] =	ssyncadd.s32 $0xFFFFFF80  }
0x43: {  	_ =	swait.ge [sflag:s12], $0x80  }
0x44: {  	[sflag:s12] =	ssyncset.done $0x0  }
0x45: {  	[sflag:s12] =	ssyncadd.s32 $0xFFFFFF80  }
0x46: {  	_ =	swait.ge [sflag:s12], $0x80  }
0x47: {  	[sflag:s12] =	ssyncset.done $0x0  }
0x48: {  	[sflag:s12] =	ssyncadd.s32 $0xFFFFFF80  }
0x49: {  	_ =	swait.ge [sflag:s12], $0x80  }
0x4a: {  	[sflag:s12] =	ssyncset.done $0x0  }
0x4b: {  	[sflag:s12] =	ssyncadd.s32 $0xFFFFFF80  }
0x4c: {  	_ =	swait.ge [sflag:s12], $0x80  }
0x4d: {  	[sflag:s12] =	ssyncset.done $0x0  }
0x4e: {  	[sflag:s12] =	ssyncadd.s32 $0xFFFFFF80  }
0x4f: {  	_ =	swait.ge [sflag:s12], $0x80  }
0x50: {  	[sflag:s12] =	ssyncset.done $0x0  }
0x51: {  	[sflag:s12] =	ssyncadd.s32 $0xFFFFFF80  }
0x52: {  	_ =	swait.ge [sflag:s12], $0x80  }
0x53: {  	[sflag:s12] =	ssyncset.done $0x0  }
0x54: {  	[sflag:s12] =	ssyncadd.s32 $0xFFFFFF80  }
0x55: {  	_ =	swait.ge [sflag:s12], $0x80  }
0x56: {  	[sflag:s12] =	ssyncset.done $0x0  }
0x57: {  	[sflag:s12] =	ssyncadd.s32 $0xFFFFFF80  }
0x58: {  	_ =	swait.ge [sflag:s12], $0x80  }
0x59: {  	[sflag:s12] =	ssyncset.done $0x0  }
0x5a: {  	[sflag:s12] =	ssyncadd.s32 $0xFFFFFF80  }
0x5b: {  	_ =	swait.ge [sflag:s12], $0x80  }
0x5c: {  	[sflag:s12] =	ssyncset.done $0x0  }
0x5d: {  	[sflag:s12] =	ssyncadd.s32 $0xFFFFFF80  }
0x5e: {  	_ =	swait.ge [sflag:s12], $0x80  }
0x5f: {  	[sflag:s12] =	ssyncset.done $0x0  }
0x60: {  	[sflag:s12] =	ssyncadd.s32 $0xFFFFFF80  }
0x61: {  	_ =	swait.ge [sflag:s12], $0x80  }
0x62: {  	[sflag:s12] =	ssyncset.done $0x0  }
0x63: {  	[sflag:s12] =	ssyncadd.s32 $0xFFFFFF80  }
0x64: {  	_ =	swait.ge [sflag:s12], $0x80  }
0x65: {  	[sflag:s12] =	ssyncset.done $0x0  }
0x66: {  	[sflag:s12] =	ssyncadd.s32 $0xFFFFFF80  }
0x67: {  	_ =	swait.ge [sflag:s12], $0x80  }
0x68: {  	[sflag:s12] =	ssyncset.done $0x0  }
0x69: {  	s17 =	simm.s32 $0x0;
	[sflag:s12] =	ssyncadd.s32 $0xFFFFFF80  }
0x6a: {  	v10 =	vld [tilespmem:s17+$0x800];
	_ =	sdelay $0x4  }
0x6b: {  	v6 =	vperm.xlane v10, v3;
	_ =	sdelay $0x1  }
0x6c: {  	s16 =	simm.s32 $0x10;
	(erf) = vrcp.f32 v6  }
0x6d: {  	v9 =	vld [tilespmem:s16+$0x800];
	_ =	sdelay $0x3  }
0x6e: {  	s18 =	simm.s32 $0x20  }
0x6f: {  	v8 =	vld [tilespmem:s18+$0x800];
	v6 =	vperm.xlane v9, v3;
	_ =	sdelay $0x1  }
0x70: {  	(erf) = vrcp.f32 v6  }
0x71: {  	v11 =	vperm.xlane v10, v4;
	v7 =	vpop (erf)  }
0x72: {  	v6 =	vadd.f32 $-1.000000000e+00, v7  }
0x73: {  	(erf) = vrcp.f32 v11;
	v7 =	vperm.xlane v8, v3  }
0x74: {  	(erf) = vrcp.f32 v6  }
0x75: {  	s19 =	simm.s32 $0x30;
	v6 =	vperm.xlane v9, v4;
	(erf) = vrcp.f32 v7  }
0x76: {  	v7 =	vld [tilespmem:s19+$0x800];
	_ =	sdelay $0x2  }
0x77: {  	(erf) = vrcp.f32 v6;
	v6 =	vpop (erf)  }
0x78: {  	s20 =	simm.s32 $0x40;
	v12 =	vadd.f32 $-1.000000000e+00, v6  }
0x79: {  	v6 =	vld [tilespmem:s20+$0x800];
	v14 =	vperm.xlane v7, v3  }
0x7a: {  	v11 =	vperm.xlane v10, v1;
	v13 =	vpop (erf);
	(erf) = vrcp.f32 v12  }
0x7b: {  	(erf) = vrcp.f32 v14;
	v15 =	vpop (erf)  }
0x7c: {  	v16 =	vperm.xlane v8, v4;
	v12 =	vmul.f32 v15, v11;
	v15 =	vpop (erf)  }
0x7d: {  	v14 =	vperm.xlane v10, v5;
	v10 =	vadd.f32 $-1.000000000e+00, v15  }
0x7e: {  	(erf) = vrcp.f32 v16;
	v18 =	vperm.xlane v6, v3  }
0x7f: {  	v13 =	vmul.f32 v12, v13;
	(erf) = vrcp.f32 v10  }
0x80: {  	(erf) = vrcp.f32 v18  }
0x81: {  	s21 =	simm.s32 $0x50;
	v17 =	vsub.f32 $1.000000000e+00, v14;
	v15 =	vsub.f32 v13, v12  }
0x82: {  	s22 =	simm.s32 $0x180;
	v16 =	vpop (erf);
	v10 =	vld [tilespmem:s21+$0x800];
	v13 =	vperm.xlane v9, v1  }
.LBB2_4:
0x83: {  	p0 =	sne.s32 s22, $0x1FC0;
	v18 =	vpop (erf);
	v17 =	vmul.f32 v15, v17;
	v15 =	vmul.f32 v15, v14;
	s23 =	smov.u32 s20;
	s20 =	smov.u32 s21  }
0x84: {  	v19 =	vpop (erf);
	v18 =	vmul.f32 v18, v13  }
.Ltmp1:
0x85: {  	v20 =	vperm.xlane v7, v4;
	v14 =	vperm.xlane v9, v5;
	v9 =	vmovc v8;
	v15 =	vsel vm0, v15, v17;
	(pc) =	sbr.rel @p0 .LBB2_4-.Ltmp1, $4  }
0x86: {  	v8 =	vmovc v7;
	v17 =	vadd.f32 $-1.000000000e+00, v19;
	v21 =	vmul.f32 v18, v16;
	v15 =	vsel vm1, v15, v12;
	v12 =	vmovc v18  }
0x87: {  	v7 =	vmovc v6;
	v18 =	vperm.xlane v10, v3;
	(erf) = vrcp.f32 v20;
	v19 =	vsel vm2, v11, v15;
	v6 =	vmovc v10  }
0x88: {  	s21 =	sshra.s32 s22, $0x2;
	v11 =	vmovc v13;
	(erf) = vrcp.f32 v17;
	v15 =	vsub.f32 v21, v12;
	v17 =	vsub.f32 $1.000000000e+00, v14;
	[tilespmem:s17+$0x1000] =	vst v19;
	s17 =	smov.u32 s16;
	s16 =	smov.u32 s18  }
0x89: {  	s22 =	sadd.s32 $0x40, s22;
	v13 =	vperm.xlane v9, v1;
	s18 =	smov.u32 s19;
	s19 =	smov.u32 s23;
	v10 =	vld [tilespmem:s21+$0x800];
	(erf) = vrcp.f32 v18;
	v16 =	vpop (erf)  }
0x8a: {  	_ = 	snop  }
0x8b: {  	v18 =	vpop (erf)  }
0x8c: {  	v20 =	vperm.xlane v7, v4;
	v19 =	vpop (erf)  }
0x8d: {  	v19 =	vadd.f32 $-1.000000000e+00, v19  }
0x8e: {  	(erf) = vrcp.f32 v20;
	v21 =	vperm.xlane v10, v3  }
0x8f: {  	(erf) = vrcp.f32 v19  }
0x90: {  	(erf) = vrcp.f32 v21;
	_ =	sdelay $0x3  }
0x91: {  	v30 =	vpop (erf)  }
0x92: {  	v31 =	vpop (erf)  }
0x93: {  	v32 =	vpop (erf)  }
0x94: {  	v22 =	vperm.xlane v6, v4;
	v23 =	vpop (erf)  }
0x95: {  	v17 =	vmul.f32 v15, v17;
	v9 =	vperm.xlane v9, v5;
	v21 =	vadd.f32 $-1.000000000e+00, v32;
	v33 =	vpop (erf)  }
0x96: {  	v24 =	vperm.xlane v10, v4;
	(erf) = vrcp.f32 v22;
	v34 =	vpop (erf)  }
0x97: {  	v35 =	vperm.xlane v8, v1;
	(erf) = vrcp.f32 v21;
	v21 =	vadd.f32 $-1.000000000e+00, v34  }
0x98: {  	v14 =	vmul.f32 v15, v14;
	(erf) = vrcp.f32 v24  }
0x99: {  	v38 =	vperm.xlane v8, v5;
	(erf) = vrcp.f32 v21  }
0x9a: {  	v41 =	vperm.xlane v7, v1;
	v18 =	vmul.f32 v18, v13  }
0x9b: {  	v47 =	vperm.xlane v6, v1;
	v7 =	vperm.xlane v7, v5  }
0x9c: {  	v16 =	vmul.f32 v18, v16;
	v36 =	vmul.f32 v31, v35  }
0x9d: {  	v6 =	vperm.xlane v6, v5;
	v37 =	vsub.f32 $1.000000000e+00, v9;
	v14 =	vsel vm0, v14, v17  }
0x9e: {  	v43 =	vsub.f32 $1.000000000e+00, v38;
	v16 =	vsub.f32 v16, v18;
	v39 =	vmul.f32 v36, v30  }
0x9f: {  	v56 =	vsub.f32 $1.000000000e+00, v7;
	v59 =	vsub.f32 $1.000000000e+00, v6;
	v50 =	vperm.xlane v10, v1;
	v45 =	vpop (erf)  }
0xa0: {  	v57 =	vperm.xlane v10, v5;
	v40 =	vmul.f32 v16, v37;
	v42 =	vsub.f32 v39, v36;
	v48 =	vpop (erf)  }
0xa1: {  	v12 =	vsel vm1, v14, v12;
	v9 =	vmul.f32 v16, v9;
	v44 =	vmul.f32 v33, v41;
	v51 =	vpop (erf)  }
0xa2: {  	v11 =	vsel vm2, v11, v12;
	v46 =	vmul.f32 v42, v43;
	v52 =	vmul.f32 v48, v47;
	v53 =	vpop (erf)  }
0xa3: {  	v60 =	vsub.f32 $1.000000000e+00, v57;
	v49 =	vmul.f32 v44, v23;
	v55 =	vmul.f32 v53, v50  }
0xa4: {  	v9 =	vsel vm0, v9, v40;
	v8 =	vmul.f32 v42, v38;
	v20 =	vmul.f32 v52, v45  }
0xa5: {  	v9 =	vsel vm1, v9, v18;
	v54 =	vsub.f32 v49, v44;
	v58 =	vmul.f32 v55, v51  }
0xa6: {  	v9 =	vsel vm2, v13, v9;
	v8 =	vsel vm0, v8, v46;
	v20 =	vsub.f32 v20, v52  }
0xa7: {  	v21 =	vmul.f32 v54, v56;
	v7 =	vmul.f32 v54, v7;
	v14 =	vsub.f32 v58, v55  }
0xa8: {  	v8 =	vsel vm1, v8, v36;
	v61 =	vmul.f32 v20, v59;
	v6 =	vmul.f32 v20, v6  }
0xa9: {  	[tilespmem:s17+$0x1000] =	vst v11;
	v7 =	vsel vm0, v7, v21;
	v62 =	vmul.f32 v14, v60;
	v10 =	vmul.f32 v14, v57  }
0xaa: {  	[tilespmem:s16+$0x1000] =	vst v9;
	v8 =	vsel vm2, v35, v8;
	v7 =	vsel vm1, v7, v44;
	v6 =	vsel vm0, v6, v61  }
0xab: {  	[tilespmem:s18+$0x1000] =	vst v8;
	v7 =	vsel vm2, v41, v7;
	v6 =	vsel vm1, v6, v52;
	v63 =	vsel vm0, v10, v62  }
0xac: {  	s15 =	sadd.s32 $0x1, s15;
	[tilespmem:s19+$0x1000] =	vst v7;
	v6 =	vsel vm2, v47, v6;
	v7 =	vsel vm1, v63, v55  }
0xad: {  	p0 =	sne.s32 s15, s5;
	[tilespmem:s20+$0x1000] =	vst v6;
	v6 =	vsel vm2, v50, v7  }
.Ltmp2:
0xae: {  	s23 =	simm.s32 $0x0;
	[tilespmem:s21+$0x1000] =	vst v6;
	(pc) =	sbr.rel @p0 .LBB2_1-.Ltmp2, $4  }
0xaf: {  	[hbm4b:s4+s23] =	stream.linear.scatter [tilespmem:s13], [sflag:$0x2], $0x800, $0x38;
	[tilespmem:$0x1800] =	vst v63  }
0xb0: {  	_ =	swait.ge [sflag:s14], $0x800  }
0xb1: {  	[sflag:s14] =	ssyncset.done $0x0  }
0xb2: {  	[sflag:s14] =	ssyncadd.s32 $0xFFFFF800  }
0xb3: {  	_ =	sfence.sel $0x180000  }
0xb4: {  	[bflag:$0x0] =	sbarrier.arrive $0xFFFF  }
0xb5: {  	_ =	strace $0x90000047  }
0xb6: {  	s0 =	stileid.u32;
	[bflag:$0x2] =	sbarrier.arrive $0xFFFF  }
0xb7: {  	p0 =	sne.s32 s0, $0x0;
	s0 =	rddreg [dreg:$0x2]  }
0xb8: {  	s0 =	sadd.s32 @!p0 $0x100000, s0  }
0xb9: {  	[sflag:s0] =	ssyncadd.tile.s32 @!p0 $0x1;
	_ =	shalt  }
.Lfunc_end2:
_tile_overlayer_lowered:
.L_overlay_start_2:
0xba: {  	(tag) =	ssettag $0x2  }
0xbb: {  	s0 =	rddreg [dreg:$0x0];
	s2 =	stileid.u32  }
0xbc: {  	s1 =	rddreg [dreg:$0x1];
	p0 =	sne.s32 s2, $0x0  }
0xbd: {  	s3 =	rddreg [dreg:$0x2];
	[bflag:$0x3] =	sbarrier.arrive $0xFFFF;
	s2 =	simm.s32 @!p0 $0x1C02  }
0xbe: {  	[timem:s3], [sflag:s2] =	dma.local @!p0 [hbm:s0], s1  }
0xbf: {  	s0 =	simm.s32 @!p0 $0x2  }
0xc0: {  	_ =	swait.ge @!p0 [sflag:s0], s1  }
0xc1: {  	s1 =	ssub.s32 @!p0 $0x0, s1;
	[sflag:s0] =	ssyncset.done @!p0 $0x0  }
0xc2: {  	[sflag:s0] =	ssyncadd.s32 @!p0 s1  }
0xc3: {  	[bflag:$0x3] =	sbarrier.arrive $0xFFFF  }
0xc4: {  	_ =	shalt  }

</sc_bundles>
